<compile_context>
chip_gen: v7x
topology: tpu7x:2x2x1
jax: 0.10.2.dev20260603
libtpu: 0.0.44.dev20260713+nightly
codegen_flags: <defaults>
</compile_context>

<pallas_src>
import functools

import jax
import jax.numpy as jnp
from jax import lax
from jax.experimental import pallas as pl
from jax.experimental.pallas import tpu as pltpu
from jax.experimental.pallas import tpu_sc as plsc

N = 50000
NS = 12500
NCAND = 12544
CIN = 256
COUT = 128

QB = 400
QBF = 1000

SC_CORES = 2
SC_SUBCORES = 16
SC_WORKERS = SC_CORES * SC_SUBCORES
GCHUNK = 128
BSC = 151552


def _mlp_sub_body(xs_ref, w_ref, b_ref, o_ref):
    acc = jnp.dot(xs_ref[...], w_ref[...],
                  preferred_element_type=jnp.float32,
                  precision=lax.Precision.HIGHEST)
    o_ref[...] = jnp.maximum(acc + b_ref[...], 0.0)


NGRP = 8
GW = NCAND // NGRP


def _knn_body(pos_ref, psub_ref, idx_ref, w_ref):
    q = pos_ref[...]
    p = psub_ref[...]
    qx = q[:, 0:1][:, :, None]
    qy = q[:, 1:2][:, :, None]
    qz = q[:, 2:3][:, :, None]
    dx = qx - p[0][None]
    dy = qy - p[1][None]
    dz = qz - p[2][None]
    d2r = dx * dx + dy * dy + dz * dz
    big = jnp.float32(1e30)

    gm = jnp.min(d2r, axis=2)
    giota = lax.broadcasted_iota(jnp.int32, (QB, NGRP), 1).astype(jnp.float32)
    gsel = []
    m1_global = None
    for r in range(3):
        m = jnp.min(gm, axis=1, keepdims=True)
        if r == 0:
            m1_global = m
        g = jnp.min(jnp.where(gm == m, giota, big), axis=1, keepdims=True)
        gsel.append(g)
        if r < 2:
            gm = jnp.where(giota == g, big, gm)
    g1, g2, g3 = gsel
    s1 = jnp.minimum(jnp.minimum(g1, g2), g3)
    s3 = jnp.maximum(jnp.maximum(g1, g2), g3)
    s2 = g1 + g2 + g3 - s1 - s3
    gcat = jnp.concatenate([s1, s2, s3], axis=1)

    gidx = gcat.astype(jnp.int32)[:, :, None]
    gsub = jnp.take_along_axis(d2r, jnp.broadcast_to(gidx, (QB, 3, GW)),
                               axis=1)
    d2s = gsub.reshape(QB, 3 * GW)
    liota = lax.broadcasted_iota(jnp.int32, (QB, 3 * GW), 1).astype(
        jnp.float32)
    ms, idxs = [], []
    for r in range(3):
        if r == 0:
            m = m1_global
        else:
            m = jnp.min(d2s, axis=1, keepdims=True)
        a = jnp.min(jnp.where(d2s == m, liota, big), axis=1,
                    keepdims=True)
        k = jnp.floor(a * (1.0 / GW))
        pos = a - k * GW
        gv = jnp.take_along_axis(gcat, k.astype(jnp.int32), axis=1)
        ms.append(m)
        idxs.append(gv * GW + pos)
        if r < 2:
            d2s = jnp.where(liota == a, big, d2s)
    d_sel = jnp.concatenate(ms, axis=1)
    idx_ref[...] = jnp.concatenate(idxs, axis=1).astype(jnp.int32)
    wk = 1.0 / jnp.maximum(d_sel, 1e-16)
    w_ref[...] = wk / jnp.sum(wk, axis=1, keepdims=True)


def _combine_body(x_ref, w_mat_ref, b_ref, w_ref, g0_ref, g1_ref, g2_ref,
                  o_ref):
    h = jnp.dot(x_ref[...], w_mat_ref[...],
                preferred_element_type=jnp.float32,
                precision=lax.Precision.HIGHEST)
    h = jnp.maximum(h + b_ref[...], 0.0)
    w = w_ref[...]
    o_ref[...] = (h + w[:, 0:1] * g0_ref[...]
                  + w[:, 1:2] * g1_ref[...]
                  + w[:, 2:3] * g2_ref[...])


def _sc_gather(table, idx_flat, bsc):
    mesh = plsc.VectorSubcoreMesh(core_axis_name="c", subcore_axis_name="s")
    b_per_w = bsc // SC_WORKERS
    nchunk = b_per_w // GCHUNK

    @functools.partial(
        pl.kernel,
        out_type=jax.ShapeDtypeStruct((bsc, COUT), jnp.float32),
        mesh=mesh,
        scratch_types=[
            pltpu.VMEM((GCHUNK,), jnp.int32),
            pltpu.VMEM((GCHUNK, COUT), jnp.float32),
            pltpu.SemaphoreType.DMA,
        ],
    )
    def gather_kernel(table_hbm, idx_hbm, out_hbm, idx_v, rows_v, sem):
        wid = lax.axis_index("s") * SC_CORES + lax.axis_index("c")
        base = wid * b_per_w

        @pl.loop(0, nchunk)
        def _(c):
            off = base + c * GCHUNK
            pltpu.sync_copy(idx_hbm.at[pl.ds(off, GCHUNK)], idx_v)
            pltpu.async_copy(table_hbm.at[idx_v], rows_v, sem).wait()
            pltpu.sync_copy(rows_v, out_hbm.at[pl.ds(off, GCHUNK)])

    return gather_kernel(table, idx_flat)


def kernel(x, x_sub, pos, pos_sub, W_sub, b_sub, W, b):
    qs = 1568
    h_sub = pl.pallas_call(
        _mlp_sub_body,
        grid=(NCAND // qs,),
        in_specs=[
            pl.BlockSpec((qs, CIN), lambda i: (i, 0)),
            pl.BlockSpec((CIN, COUT), lambda i: (0, 0)),
            pl.BlockSpec((1, COUT), lambda i: (0, 0)),
        ],
        out_specs=pl.BlockSpec((qs, COUT), lambda i: (i, 0)),
        out_shape=jax.ShapeDtypeStruct((NS, COUT), jnp.float32),
    )(x_sub, W_sub, b_sub.reshape(1, COUT))

    psub_t = jnp.pad(pos_sub, ((0, NCAND - NS), (0, 0)),
                     constant_values=100.0).T.reshape(3, NGRP, GW)
    idx, w = pl.pallas_call(
        _knn_body,
        grid=(N // QB,),
        in_specs=[
            pl.BlockSpec((QB, 3), lambda i: (i, 0)),
            pl.BlockSpec((3, NGRP, GW), lambda i: (0, 0, 0)),
        ],
        out_specs=[
            pl.BlockSpec((QB, 3), lambda i: (i, 0)),
            pl.BlockSpec((QB, 3), lambda i: (i, 0)),
        ],
        out_shape=[
            jax.ShapeDtypeStruct((N, 3), jnp.int32),
            jax.ShapeDtypeStruct((N, 3), jnp.float32),
        ],
    )(pos, psub_t)

    idx_flat = jnp.pad(idx.T.reshape(3 * N), (0, BSC - 3 * N))
    gathered = _sc_gather(h_sub, idx_flat, BSC)

    nqb = N // QBF
    gspec = lambda k: pl.BlockSpec((QBF, COUT),
                                   lambda i, k=k: (k * nqb + i, 0))
    out = pl.pallas_call(
        _combine_body,
        grid=(nqb,),
        in_specs=[
            pl.BlockSpec((QBF, COUT), lambda i: (i, 0)),
            pl.BlockSpec((COUT, COUT), lambda i: (0, 0)),
            pl.BlockSpec((1, COUT), lambda i: (0, 0)),
            pl.BlockSpec((QBF, 3), lambda i: (i, 0)),
            gspec(0),
            gspec(1),
            gspec(2),
        ],
        out_specs=pl.BlockSpec((QBF, COUT), lambda i: (i, 0)),
        out_shape=jax.ShapeDtypeStruct((N, COUT), jnp.float32),
    )(x, W, b.reshape(1, COUT), w, gathered, gathered, gathered)
    return out

# --- scband reference (transcript-rebuilt; emitter-appended) ---
"""Pipeline reference for scband-transition-up-90134183674397 (READ-ONLY COPY).

The authoritative reference and input builder live on the scoring server;
editing this copy changes nothing except your own understanding.
"""

import jax, jax.numpy as jnp
import numpy as np


def _knn3_idx(pos, pos_sub, chunk=2500):
    # brute-force 3-NN, chunked over queries to bound memory
    Q = pos.shape[0]
    qs = pos.reshape(Q // chunk, chunk, 3)

    def chunk_fn(q):
        d2 = jnp.sum((q[:, None, :] - pos_sub[None, :, :]) ** 2, axis=-1)
        _, idx = jax.lax.top_k(-d2, 3)
        return idx

    idx = jax.lax.map(chunk_fn, qs)
    return idx.reshape(Q, 3)


def _knn_interpolate(feat_sub, pos_sub, pos):
    # matches torch_geometric.nn.unpool.knn_interpolate with k=3
    idx = _knn3_idx(jax.lax.stop_gradient(pos), jax.lax.stop_gradient(pos_sub))
    nbr_pos = pos_sub[idx]                                  # [N, 3, 3] gather
    d2 = jnp.sum((pos[:, None, :] - nbr_pos) ** 2, axis=-1)  # [N, 3]
    w = 1.0 / jnp.clip(d2, 1e-16)
    w = w / jnp.sum(w, axis=-1, keepdims=True)
    nbr_feat = feat_sub[idx]                                # [N, 3, C] gather
    return jnp.sum(w[:, :, None] * nbr_feat, axis=1)


def setup_inputs(seed: int = 0):
    key = jax.random.key(seed)
    ks = jax.random.split(key, 8)
    N, Ns, Cin, Cout = 50000, 12500, 256, 128
    return {
        "x": jax.random.normal(ks[0], (N, Cout), dtype=jnp.float32),
        "x_sub": jax.random.normal(ks[1], (Ns, Cin), dtype=jnp.float32),
        "pos": jax.random.uniform(ks[2], (N, 3), dtype=jnp.float32),
        "pos_sub": jax.random.uniform(ks[3], (Ns, 3), dtype=jnp.float32),
        "W_sub": jax.random.normal(ks[4], (Cin, Cout), dtype=jnp.float32) * (1.0 / np.sqrt(Cin)),
        "b_sub": jnp.zeros((Cout,), dtype=jnp.float32),
        "W": jax.random.normal(ks[5], (Cout, Cout), dtype=jnp.float32) * (1.0 / np.sqrt(Cout)),
        "b": jnp.zeros((Cout,), dtype=jnp.float32),
    }


def reference(x, x_sub, pos, pos_sub, W_sub, b_sub, W, b):
    # mlp_sub: Linear + ReLU (build_mlp_layer([in, out]))
    h_sub = jax.nn.relu(x_sub @ W_sub + b_sub)
    x_interp = _knn_interpolate(h_sub, pos_sub, pos)
    # mlp: Linear + ReLU on high-res features
    h = jax.nn.relu(x @ W + b)
    return h + x_interp

if __name__ == "__main__":
    import jax
    _d = setup_inputs()
    print(jax.jit(kernel)(*tuple(_d.values())))

</pallas_src>

<mosaic_0001>
#map = affine_map<(d0, d1) -> (0, 0)>
#map1 = affine_map<(d0, d1) -> (0)>
module attributes {stable_mosaic.version = 14 : i64} {
  func.func @gather_kernel(%arg0: i32, %arg1: i32, %arg2: memref<12500x128xf32, #tpu.memory_space<hbm>>, %arg3: memref<151552xi32, #tpu.memory_space<hbm>>, %arg4: memref<151552x128xf32, #tpu.memory_space<hbm>>, %arg5: memref<128xi32, #tpu.memory_space<vmem>>, %arg6: memref<128x128xf32, #tpu.memory_space<vmem>>, %arg7: memref<!tpu.dma_semaphore, #tpu.memory_space<semaphore_mem>>) attributes {dimension_semantics = [#tpu.dimension_semantics<core_parallel>, #tpu.dimension_semantics<subcore_parallel>], iteration_bounds = array<i64: 2, 16>, scalar_prefetch = 0 : i64, scratch_operands = 3 : i64, tpu.core_type = #tpu.core_type<sc_vector_subcore>, window_params = [{transform_indices = #map}, {transform_indices = #map1}, {transform_indices = #map}]} {
    %mul3A = arith.constant 2 : i32
    %mul3A_0 = arith.muli %arg1, %mul3A : i32
    %add3A = arith.addi %mul3A_0, %arg0 : i32
    %mul3A_1 = arith.constant 4736 : i32
    %mul3A_2 = arith.muli %add3A, %mul3A_1 : i32
    %scan3A = arith.constant 0 : i32
    %scan3A_3 = arith.constant 37 : i32
    %scan3A_4 = arith.addi %scan3A, %scan3A_3 : i32
    %scan3A_5 = arith.constant 1 : i32
    scf.for %scan3A_7 = %scan3A to %scan3A_4 step %scan3A_5  : i32 {
      %mul3A_8 = arith.constant 1 : i32
      %mul3A_9 = arith.muli %scan3A_7, %mul3A_8 : i32
      %add3A_10 = arith.constant 0 : i32
      %add3A_11 = arith.addi %add3A_10, %mul3A_9 : i32
      %mul3A_12 = arith.constant 128 : i32
      %mul3A_13 = arith.muli %add3A_11, %mul3A_12 : i32
      %add3A_14 = arith.addi %mul3A_2, %mul3A_13 : i32
      "tpu.region"() ({
        %run_scoped3A = tpu.sem_alloc : memref<!tpu.dma_semaphore, #tpu.memory_space<semaphore_mem>>
        %dma_start3A_19 = tpu.memref_slice %arg3[%add3A_14] : memref<151552xi32, #tpu.memory_space<hbm>> -> memref<128xi32, #tpu.memory_space<hbm>>
        %dma_start3A_20 = tpu.memref_slice %arg3[%add3A_14] : memref<151552xi32, #tpu.memory_space<hbm>> -> memref<128xi32, #tpu.memory_space<hbm>>
        tpu.enqueue_dma source(%dma_start3A_20 : memref<128xi32, #tpu.memory_space<hbm>>) target(%arg5 : memref<128xi32, #tpu.memory_space<vmem>>) target_semaphore(%run_scoped3A : memref<!tpu.dma_semaphore, #tpu.memory_space<semaphore_mem>>)
        %dma_wait3A_21 = tpu.memref_slice %arg3[%add3A_14] : memref<151552xi32, #tpu.memory_space<hbm>> -> memref<128xi32, #tpu.memory_space<hbm>>
        %dma_wait3A_22 = tpu.memref_slice %arg3[%add3A_14] : memref<151552xi32, #tpu.memory_space<hbm>> -> memref<128xi32, #tpu.memory_space<hbm>>
        tpu.wait_dma2 semaphore(%run_scoped3A : memref<!tpu.dma_semaphore, #tpu.memory_space<semaphore_mem>>) src(%dma_wait3A_22 : memref<128xi32, #tpu.memory_space<hbm>>) dst(%arg5 : memref<128xi32, #tpu.memory_space<vmem>>)
        tpu.yield
      }) : () -> ()
      %dma_start3A = arith.constant 0 : i32
      %dma_start3A_15 = arith.constant 0 : i32
      %dma_start3A_16 = tpu.memref_slice %arg2[%dma_start3A, %dma_start3A_15] : memref<12500x128xf32, #tpu.memory_space<hbm>> -> memref<12500x128xf32, #tpu.memory_space<hbm>>
      tpu.enqueue_indirect_dma source(%dma_start3A_16 : memref<12500x128xf32, #tpu.memory_space<hbm>>) target(%arg6 : memref<128x128xf32, #tpu.memory_space<vmem>>) offsets(%arg5 : memref<128xi32, #tpu.memory_space<vmem>>) semaphore(%arg7 : memref<!tpu.dma_semaphore, #tpu.memory_space<semaphore_mem>>)
      %dma_wait3A = arith.constant 0 : i32
      %dma_wait3A_17 = arith.constant 0 : i32
      %dma_wait3A_18 = tpu.memref_slice %arg2[%dma_wait3A, %dma_wait3A_17] : memref<12500x128xf32, #tpu.memory_space<hbm>> -> memref<12500x128xf32, #tpu.memory_space<hbm>>
      tpu.wait_indirect_dma semaphore(%arg7 : memref<!tpu.dma_semaphore, #tpu.memory_space<semaphore_mem>>) src(%dma_wait3A_18 : memref<12500x128xf32, #tpu.memory_space<hbm>>) dst(%arg6 : memref<128x128xf32, #tpu.memory_space<vmem>>)
      "tpu.region"() ({
        %run_scoped3A = tpu.sem_alloc : memref<!tpu.dma_semaphore, #tpu.memory_space<semaphore_mem>>
        %dma_start3A_19 = arith.constant 0 : i32
        %dma_start3A_20 = tpu.memref_slice %arg4[%add3A_14, %dma_start3A_19] : memref<151552x128xf32, #tpu.memory_space<hbm>> -> memref<128x128xf32, #tpu.memory_space<hbm>>
        %dma_start3A_21 = arith.constant 0 : i32
        %dma_start3A_22 = tpu.memref_slice %arg4[%add3A_14, %dma_start3A_21] : memref<151552x128xf32, #tpu.memory_space<hbm>> -> memref<128x128xf32, #tpu.memory_space<hbm>>
        tpu.enqueue_dma source(%arg6 : memref<128x128xf32, #tpu.memory_space<vmem>>) target(%dma_start3A_22 : memref<128x128xf32, #tpu.memory_space<hbm>>) target_semaphore(%run_scoped3A : memref<!tpu.dma_semaphore, #tpu.memory_space<semaphore_mem>>)
        %dma_wait3A_23 = arith.constant 0 : i32
        %dma_wait3A_24 = tpu.memref_slice %arg4[%add3A_14, %dma_wait3A_23] : memref<151552x128xf32, #tpu.memory_space<hbm>> -> memref<128x128xf32, #tpu.memory_space<hbm>>
        %dma_wait3A_25 = arith.constant 0 : i32
        %dma_wait3A_26 = tpu.memref_slice %arg4[%add3A_14, %dma_wait3A_25] : memref<151552x128xf32, #tpu.memory_space<hbm>> -> memref<128x128xf32, #tpu.memory_space<hbm>>
        tpu.wait_dma2 semaphore(%run_scoped3A : memref<!tpu.dma_semaphore, #tpu.memory_space<semaphore_mem>>) src(%arg6 : memref<128x128xf32, #tpu.memory_space<vmem>>) dst(%dma_wait3A_26 : memref<128x128xf32, #tpu.memory_space<hbm>>)
        tpu.yield
      }) : () -> ()
    }
    %scan3A_6 = arith.constant 37 : i32
    return
  }
}

module attributes {stable_mosaic.version = 14 : i64} {
  func.func @_knn_body(%arg0: i32, %arg1: memref<400x3xf32, #tpu.memory_space<vmem>>, %arg2: memref<3x8x1568xf32, #tpu.memory_space<vmem>>, %arg3: memref<400x3xi32, #tpu.memory_space<vmem>>, %arg4: memref<400x3xf32, #tpu.memory_space<vmem>>) attributes {dimension_semantics = [#tpu.dimension_semantics<arbitrary>], iteration_bounds = array<i64: 125>, scalar_prefetch = 0 : i64, scratch_operands = 0 : i64, tpu.core_type = #tpu.core_type<tc>, window_params = [{transform_indices = @transform_0, window_bounds = array<i64: 400, 3>}, {pipeline_mode = #tpu.pipeline_mode<synchronous>, transform_indices = @transform_1, window_bounds = array<i64: 3, 8, 1568>}, {transform_indices = @transform_2, window_bounds = array<i64: 400, 3>}, {transform_indices = @transform_3, window_bounds = array<i64: 400, 3>}]} {
    %get3A = arith.constant 0 : index
    %get3A_0 = arith.constant 0 : index
    %get3A_1 = vector.load %arg1[%get3A, %get3A_0] : memref<400x3xf32, #tpu.memory_space<vmem>>, vector<400x3xf32>
    %get3A_2 = arith.constant 0 : index
    %get3A_3 = arith.constant 0 : index
    %get3A_4 = arith.constant 0 : index
    %get3A_5 = vector.load %arg2[%get3A_2, %get3A_3, %get3A_4] : memref<3x8x1568xf32, #tpu.memory_space<vmem>>, vector<3x8x1568xf32>
    %slice3A = vector.extract_strided_slice %get3A_1 {offsets = [0, 0], sizes = [400, 1], strides = [1, 1]} : vector<400x3xf32> to vector<400x1xf32>
    %broadcast_in_dim3A = vector.shape_cast %slice3A : vector<400x1xf32> to vector<400x1x1xf32>
    %slice3A_6 = vector.extract_strided_slice %get3A_1 {offsets = [0, 1], sizes = [400, 1], strides = [1, 1]} : vector<400x3xf32> to vector<400x1xf32>
    %broadcast_in_dim3A_7 = vector.shape_cast %slice3A_6 : vector<400x1xf32> to vector<400x1x1xf32>
    %slice3A_8 = vector.extract_strided_slice %get3A_1 {offsets = [0, 2], sizes = [400, 1], strides = [1, 1]} : vector<400x3xf32> to vector<400x1xf32>
    %broadcast_in_dim3A_9 = vector.shape_cast %slice3A_8 : vector<400x1xf32> to vector<400x1x1xf32>
    %slice3A_10 = vector.extract_strided_slice %get3A_5 {offsets = [0, 0, 0], sizes = [1, 8, 1568], strides = [1, 1, 1]} : vector<3x8x1568xf32> to vector<1x8x1568xf32>
    %squeeze3A = vector.shape_cast %slice3A_10 : vector<1x8x1568xf32> to vector<8x1568xf32>
    %broadcast_in_dim3A_11 = vector.shape_cast %squeeze3A : vector<8x1568xf32> to vector<1x8x1568xf32>
    %sub3A = vector.broadcast %broadcast_in_dim3A : vector<400x1x1xf32> to vector<400x8x1568xf32>
    %sub3A_12 = vector.broadcast %broadcast_in_dim3A_11 : vector<1x8x1568xf32> to vector<400x8x1568xf32>
    %sub3A_13 = arith.subf %sub3A, %sub3A_12 : vector<400x8x1568xf32>
    %slice3A_14 = vector.extract_strided_slice %get3A_5 {offsets = [1, 0, 0], sizes = [1, 8, 1568], strides = [1, 1, 1]} : vector<3x8x1568xf32> to vector<1x8x1568xf32>
    %squeeze3A_15 = vector.shape_cast %slice3A_14 : vector<1x8x1568xf32> to vector<8x1568xf32>
    %broadcast_in_dim3A_16 = vector.shape_cast %squeeze3A_15 : vector<8x1568xf32> to vector<1x8x1568xf32>
    %sub3A_17 = vector.broadcast %broadcast_in_dim3A_7 : vector<400x1x1xf32> to vector<400x8x1568xf32>
    %sub3A_18 = vector.broadcast %broadcast_in_dim3A_16 : vector<1x8x1568xf32> to vector<400x8x1568xf32>
    %sub3A_19 = arith.subf %sub3A_17, %sub3A_18 : vector<400x8x1568xf32>
    %slice3A_20 = vector.extract_strided_slice %get3A_5 {offsets = [2, 0, 0], sizes = [1, 8, 1568], strides = [1, 1, 1]} : vector<3x8x1568xf32> to vector<1x8x1568xf32>
    %squeeze3A_21 = vector.shape_cast %slice3A_20 : vector<1x8x1568xf32> to vector<8x1568xf32>
    %broadcast_in_dim3A_22 = vector.shape_cast %squeeze3A_21 : vector<8x1568xf32> to vector<1x8x1568xf32>
    %sub3A_23 = vector.broadcast %broadcast_in_dim3A_9 : vector<400x1x1xf32> to vector<400x8x1568xf32>
    %sub3A_24 = vector.broadcast %broadcast_in_dim3A_22 : vector<1x8x1568xf32> to vector<400x8x1568xf32>
    %sub3A_25 = arith.subf %sub3A_23, %sub3A_24 : vector<400x8x1568xf32>
    %mul3A = arith.mulf %sub3A_13, %sub3A_13 : vector<400x8x1568xf32>
    %mul3A_26 = arith.mulf %sub3A_19, %sub3A_19 : vector<400x8x1568xf32>
    %add3A = arith.addf %mul3A, %mul3A_26 : vector<400x8x1568xf32>
    %mul3A_27 = arith.mulf %sub3A_25, %sub3A_25 : vector<400x8x1568xf32>
    %add3A_28 = arith.addf %add3A, %mul3A_27 : vector<400x8x1568xf32>
    %reduce_min3A = arith.constant dense<0x7F800000> : vector<400x8xf32>
    %reduce_min3A_29 = vector.multi_reduction <minimumf>, %add3A_28, %reduce_min3A [2] : vector<400x8x1568xf32> to vector<400x8xf32>
    %iota3A = tpu.iota {dimensions = array<i32: 1>} : vector<400x8xi32>
    %convert_element_type3A = arith.sitofp %iota3A : vector<400x8xi32> to vector<400x8xf32>
    %reduce_min3A_30 = arith.constant dense<0x7F800000> : vector<400xf32>
    %reduce_min3A_31 = vector.multi_reduction <minimumf>, %reduce_min3A_29, %reduce_min3A_30 [1] : vector<400x8xf32> to vector<400xf32>
    %broadcast_in_dim3A_32 = vector.shape_cast %reduce_min3A_31 : vector<400xf32> to vector<400x1xf32>
    %eq3A = vector.broadcast %broadcast_in_dim3A_32 : vector<400x1xf32> to vector<400x8xf32>
    %eq3A_33 = arith.cmpf oeq, %reduce_min3A_29, %eq3A : vector<400x8xf32>
    %jit3A = arith.constant 1.000000e+30 : f32
    %broadcast_in_dim3A_34 = vector.broadcast %jit3A : f32 to vector<400x8xf32>
    %select_n3A = arith.select %eq3A_33, %convert_element_type3A, %broadcast_in_dim3A_34 : vector<400x8xi1>, vector<400x8xf32>
    %reduce_min3A_35 = arith.constant dense<0x7F800000> : vector<400xf32>
    %reduce_min3A_36 = vector.multi_reduction <minimumf>, %select_n3A, %reduce_min3A_35 [1] : vector<400x8xf32> to vector<400xf32>
    %broadcast_in_dim3A_37 = vector.shape_cast %reduce_min3A_36 : vector<400xf32> to vector<400x1xf32>
    %eq3A_38 = vector.broadcast %broadcast_in_dim3A_37 : vector<400x1xf32> to vector<400x8xf32>
    %eq3A_39 = arith.cmpf oeq, %convert_element_type3A, %eq3A_38 : vector<400x8xf32>
    %jit3A_40 = arith.constant 1.000000e+30 : f32
    %broadcast_in_dim3A_41 = vector.broadcast %jit3A_40 : f32 to vector<400x8xf32>
    %select_n3A_42 = arith.select %eq3A_39, %broadcast_in_dim3A_41, %reduce_min3A_29 : vector<400x8xi1>, vector<400x8xf32>
    %reduce_min3A_43 = arith.constant dense<0x7F800000> : vector<400xf32>
    %reduce_min3A_44 = vector.multi_reduction <minimumf>, %select_n3A_42, %reduce_min3A_43 [1] : vector<400x8xf32> to vector<400xf32>
    %broadcast_in_dim3A_45 = vector.shape_cast %reduce_min3A_44 : vector<400xf32> to vector<400x1xf32>
    %eq3A_46 = vector.broadcast %broadcast_in_dim3A_45 : vector<400x1xf32> to vector<400x8xf32>
    %eq3A_47 = arith.cmpf oeq, %select_n3A_42, %eq3A_46 : vector<400x8xf32>
    %jit3A_48 = arith.constant 1.000000e+30 : f32
    %broadcast_in_dim3A_49 = vector.broadcast %jit3A_48 : f32 to vector<400x8xf32>
    %select_n3A_50 = arith.select %eq3A_47, %convert_element_type3A, %broadcast_in_dim3A_49 : vector<400x8xi1>, vector<400x8xf32>
    %reduce_min3A_51 = arith.constant dense<0x7F800000> : vector<400xf32>
    %reduce_min3A_52 = vector.multi_reduction <minimumf>, %select_n3A_50, %reduce_min3A_51 [1] : vector<400x8xf32> to vector<400xf32>
    %broadcast_in_dim3A_53 = vector.shape_cast %reduce_min3A_52 : vector<400xf32> to vector<400x1xf32>
    %eq3A_54 = vector.broadcast %broadcast_in_dim3A_53 : vector<400x1xf32> to vector<400x8xf32>
    %eq3A_55 = arith.cmpf oeq, %convert_element_type3A, %eq3A_54 : vector<400x8xf32>
    %jit3A_56 = arith.constant 1.000000e+30 : f32
    %broadcast_in_dim3A_57 = vector.broadcast %jit3A_56 : f32 to vector<400x8xf32>
    %select_n3A_58 = arith.select %eq3A_55, %broadcast_in_dim3A_57, %select_n3A_42 : vector<400x8xi1>, vector<400x8xf32>
    %reduce_min3A_59 = arith.constant dense<0x7F800000> : vector<400xf32>
    %reduce_min3A_60 = vector.multi_reduction <minimumf>, %select_n3A_58, %reduce_min3A_59 [1] : vector<400x8xf32> to vector<400xf32>
    %broadcast_in_dim3A_61 = vector.shape_cast %reduce_min3A_60 : vector<400xf32> to vector<400x1xf32>
    %eq3A_62 = vector.broadcast %broadcast_in_dim3A_61 : vector<400x1xf32> to vector<400x8xf32>
    %eq3A_63 = arith.cmpf oeq, %select_n3A_58, %eq3A_62 : vector<400x8xf32>
    %jit3A_64 = arith.constant 1.000000e+30 : f32
    %broadcast_in_dim3A_65 = vector.broadcast %jit3A_64 : f32 to vector<400x8xf32>
    %select_n3A_66 = arith.select %eq3A_63, %convert_element_type3A, %broadcast_in_dim3A_65 : vector<400x8xi1>, vector<400x8xf32>
    %reduce_min3A_67 = arith.constant dense<0x7F800000> : vector<400xf32>
    %reduce_min3A_68 = vector.multi_reduction <minimumf>, %select_n3A_66, %reduce_min3A_67 [1] : vector<400x8xf32> to vector<400xf32>
    %broadcast_in_dim3A_69 = vector.shape_cast %reduce_min3A_68 : vector<400xf32> to vector<400x1xf32>
    %min3A = arith.minimumf %broadcast_in_dim3A_37, %broadcast_in_dim3A_53 : vector<400x1xf32>
    %min3A_70 = arith.minimumf %min3A, %broadcast_in_dim3A_69 : vector<400x1xf32>
    %max3A = arith.maximumf %broadcast_in_dim3A_37, %broadcast_in_dim3A_53 : vector<400x1xf32>
    %max3A_71 = arith.maximumf %max3A, %broadcast_in_dim3A_69 : vector<400x1xf32>
    %add3A_72 = arith.addf %broadcast_in_dim3A_37, %broadcast_in_dim3A_53 : vector<400x1xf32>
    %add3A_73 = arith.addf %add3A_72, %broadcast_in_dim3A_69 : vector<400x1xf32>
    %sub3A_74 = arith.subf %add3A_73, %min3A_70 : vector<400x1xf32>
    %sub3A_75 = arith.subf %sub3A_74, %max3A_71 : vector<400x1xf32>
    %concatenate3A = tpu.concatenate %min3A_70, %sub3A_75, %max3A_71 in 1 : vector<400x1xf32>, vector<400x1xf32>, vector<400x1xf32> -> vector<400x3xf32>
    %convert_element_type3A_76 = arith.fptosi %concatenate3A : vector<400x3xf32> to vector<400x3xi32>
    %broadcast_in_dim3A_77 = vector.shape_cast %convert_element_type3A_76 : vector<400x3xi32> to vector<400x3x1xi32>
    %broadcast_in_dim3A_78 = vector.shape_cast %broadcast_in_dim3A_77 : vector<400x3x1xi32> to vector<400x3x1xi32>
    %broadcast_in_dim3A_79 = vector.broadcast %broadcast_in_dim3A_78 : vector<400x3x1xi32> to vector<400x3x1568xi32>
    %lt3A = arith.constant 0 : i32
    %lt3A_80 = vector.broadcast %lt3A : i32 to vector<400x3x1568xi32>
    %lt3A_81 = arith.cmpi slt, %broadcast_in_dim3A_79, %lt3A_80 : vector<400x3x1568xi32>
    %add3A_82 = arith.constant 8 : i32
    %add3A_83 = vector.broadcast %add3A_82 : i32 to vector<400x3x1568xi32>
    %add3A_84 = arith.addi %broadcast_in_dim3A_79, %add3A_83 : vector<400x3x1568xi32>
    %select_n3A_85 = arith.select %lt3A_81, %add3A_84, %broadcast_in_dim3A_79 : vector<400x3x1568xi1>, vector<400x3x1568xi32>
    %reshape3A = vector.shape_cast %select_n3A_85 : vector<400x3x1568xi32> to vector<400x3x1568x1xi32>
    %gather3A = vector.shape_cast %reshape3A : vector<400x3x1568x1xi32> to vector<400x3x1568xi32>
    %gather3A_86 = tpu.dynamic_gather %add3A_28[%gather3A] in [1] : vector<400x8x1568xf32>, vector<400x3x1568xi32> -> vector<400x3x1568xf32>
    %reshape3A_87 = vector.shape_cast %gather3A_86 : vector<400x3x1568xf32> to vector<400x4704xf32>
    %iota3A_88 = tpu.iota {dimensions = array<i32: 1>} : vector<400x4704xi32>
    %convert_element_type3A_89 = arith.sitofp %iota3A_88 : vector<400x4704xi32> to vector<400x4704xf32>
    %eq3A_90 = vector.broadcast %broadcast_in_dim3A_32 : vector<400x1xf32> to vector<400x4704xf32>
    %eq3A_91 = arith.cmpf oeq, %reshape3A_87, %eq3A_90 : vector<400x4704xf32>
    %jit3A_92 = arith.constant 1.000000e+30 : f32
    %broadcast_in_dim3A_93 = vector.broadcast %jit3A_92 : f32 to vector<400x4704xf32>
    %select_n3A_94 = arith.select %eq3A_91, %convert_element_type3A_89, %broadcast_in_dim3A_93 : vector<400x4704xi1>, vector<400x4704xf32>
    %reduce_min3A_95 = arith.constant dense<0x7F800000> : vector<400xf32>
    %reduce_min3A_96 = vector.multi_reduction <minimumf>, %select_n3A_94, %reduce_min3A_95 [1] : vector<400x4704xf32> to vector<400xf32>
    %broadcast_in_dim3A_97 = vector.shape_cast %reduce_min3A_96 : vector<400xf32> to vector<400x1xf32>
    %mul3A_98 = arith.constant 6.37755089E-4 : f32
    %mul3A_99 = vector.broadcast %mul3A_98 : f32 to vector<400x1xf32>
    %mul3A_100 = arith.mulf %broadcast_in_dim3A_97, %mul3A_99 : vector<400x1xf32>
    %floor3A = math.floor %mul3A_100 : vector<400x1xf32>
    %mul3A_101 = arith.constant 1.568000e+03 : f32
    %mul3A_102 = vector.broadcast %mul3A_101 : f32 to vector<400x1xf32>
    %mul3A_103 = arith.mulf %floor3A, %mul3A_102 : vector<400x1xf32>
    %sub3A_104 = arith.subf %broadcast_in_dim3A_97, %mul3A_103 : vector<400x1xf32>
    %convert_element_type3A_105 = arith.fptosi %floor3A : vector<400x1xf32> to vector<400x1xi32>
    %lt3A_106 = arith.constant 0 : i32
    %lt3A_107 = vector.broadcast %lt3A_106 : i32 to vector<400x1xi32>
    %lt3A_108 = arith.cmpi slt, %convert_element_type3A_105, %lt3A_107 : vector<400x1xi32>
    %add3A_109 = arith.constant 3 : i32
    %add3A_110 = vector.broadcast %add3A_109 : i32 to vector<400x1xi32>
    %add3A_111 = arith.addi %convert_element_type3A_105, %add3A_110 : vector<400x1xi32>
    %select_n3A_112 = arith.select %lt3A_108, %add3A_111, %convert_element_type3A_105 : vector<400x1xi1>, vector<400x1xi32>
    %reshape3A_113 = vector.shape_cast %select_n3A_112 : vector<400x1xi32> to vector<400x1x1xi32>
    %gather3A_114 = vector.shape_cast %reshape3A_113 : vector<400x1x1xi32> to vector<400x1xi32>
    %gather3A_115 = tpu.dynamic_gather %concatenate3A[%gather3A_114] in [1] : vector<400x3xf32>, vector<400x1xi32> -> vector<400x1xf32>
    %mul3A_116 = arith.constant 1.568000e+03 : f32
    %mul3A_117 = vector.broadcast %mul3A_116 : f32 to vector<400x1xf32>
    %mul3A_118 = arith.mulf %gather3A_115, %mul3A_117 : vector<400x1xf32>
    %add3A_119 = arith.addf %mul3A_118, %sub3A_104 : vector<400x1xf32>
    %eq3A_120 = vector.broadcast %broadcast_in_dim3A_97 : vector<400x1xf32> to vector<400x4704xf32>
    %eq3A_121 = arith.cmpf oeq, %convert_element_type3A_89, %eq3A_120 : vector<400x4704xf32>
    %jit3A_122 = arith.constant 1.000000e+30 : f32
    %broadcast_in_dim3A_123 = vector.broadcast %jit3A_122 : f32 to vector<400x4704xf32>
    %select_n3A_124 = arith.select %eq3A_121, %broadcast_in_dim3A_123, %reshape3A_87 : vector<400x4704xi1>, vector<400x4704xf32>
    %reduce_min3A_125 = arith.constant dense<0x7F800000> : vector<400xf32>
    %reduce_min3A_126 = vector.multi_reduction <minimumf>, %select_n3A_124, %reduce_min3A_125 [1] : vector<400x4704xf32> to vector<400xf32>
    %broadcast_in_dim3A_127 = vector.shape_cast %reduce_min3A_126 : vector<400xf32> to vector<400x1xf32>
    %eq3A_128 = vector.broadcast %broadcast_in_dim3A_127 : vector<400x1xf32> to vector<400x4704xf32>
    %eq3A_129 = arith.cmpf oeq, %select_n3A_124, %eq3A_128 : vector<400x4704xf32>
    %jit3A_130 = arith.constant 1.000000e+30 : f32
    %broadcast_in_dim3A_131 = vector.broadcast %jit3A_130 : f32 to vector<400x4704xf32>
    %select_n3A_132 = arith.select %eq3A_129, %convert_element_type3A_89, %broadcast_in_dim3A_131 : vector<400x4704xi1>, vector<400x4704xf32>
    %reduce_min3A_133 = arith.constant dense<0x7F800000> : vector<400xf32>
    %reduce_min3A_134 = vector.multi_reduction <minimumf>, %select_n3A_132, %reduce_min3A_133 [1] : vector<400x4704xf32> to vector<400xf32>
    %broadcast_in_dim3A_135 = vector.shape_cast %reduce_min3A_134 : vector<400xf32> to vector<400x1xf32>
    %mul3A_136 = arith.constant 6.37755089E-4 : f32
    %mul3A_137 = vector.broadcast %mul3A_136 : f32 to vector<400x1xf32>
    %mul3A_138 = arith.mulf %broadcast_in_dim3A_135, %mul3A_137 : vector<400x1xf32>
    %floor3A_139 = math.floor %mul3A_138 : vector<400x1xf32>
    %mul3A_140 = arith.constant 1.568000e+03 : f32
    %mul3A_141 = vector.broadcast %mul3A_140 : f32 to vector<400x1xf32>
    %mul3A_142 = arith.mulf %floor3A_139, %mul3A_141 : vector<400x1xf32>
    %sub3A_143 = arith.subf %broadcast_in_dim3A_135, %mul3A_142 : vector<400x1xf32>
    %convert_element_type3A_144 = arith.fptosi %floor3A_139 : vector<400x1xf32> to vector<400x1xi32>
    %lt3A_145 = arith.constant 0 : i32
    %lt3A_146 = vector.broadcast %lt3A_145 : i32 to vector<400x1xi32>
    %lt3A_147 = arith.cmpi slt, %convert_element_type3A_144, %lt3A_146 : vector<400x1xi32>
    %add3A_148 = arith.constant 3 : i32
    %add3A_149 = vector.broadcast %add3A_148 : i32 to vector<400x1xi32>
    %add3A_150 = arith.addi %convert_element_type3A_144, %add3A_149 : vector<400x1xi32>
    %select_n3A_151 = arith.select %lt3A_147, %add3A_150, %convert_element_type3A_144 : vector<400x1xi1>, vector<400x1xi32>
    %reshape3A_152 = vector.shape_cast %select_n3A_151 : vector<400x1xi32> to vector<400x1x1xi32>
    %gather3A_153 = vector.shape_cast %reshape3A_152 : vector<400x1x1xi32> to vector<400x1xi32>
    %gather3A_154 = tpu.dynamic_gather %concatenate3A[%gather3A_153] in [1] : vector<400x3xf32>, vector<400x1xi32> -> vector<400x1xf32>
    %mul3A_155 = arith.constant 1.568000e+03 : f32
    %mul3A_156 = vector.broadcast %mul3A_155 : f32 to vector<400x1xf32>
    %mul3A_157 = arith.mulf %gather3A_154, %mul3A_156 : vector<400x1xf32>
    %add3A_158 = arith.addf %mul3A_157, %sub3A_143 : vector<400x1xf32>
    %eq3A_159 = vector.broadcast %broadcast_in_dim3A_135 : vector<400x1xf32> to vector<400x4704xf32>
    %eq3A_160 = arith.cmpf oeq, %convert_element_type3A_89, %eq3A_159 : vector<400x4704xf32>
    %jit3A_161 = arith.constant 1.000000e+30 : f32
    %broadcast_in_dim3A_162 = vector.broadcast %jit3A_161 : f32 to vector<400x4704xf32>
    %select_n3A_163 = arith.select %eq3A_160, %broadcast_in_dim3A_162, %select_n3A_124 : vector<400x4704xi1>, vector<400x4704xf32>
    %reduce_min3A_164 = arith.constant dense<0x7F800000> : vector<400xf32>
    %reduce_min3A_165 = vector.multi_reduction <minimumf>, %select_n3A_163, %reduce_min3A_164 [1] : vector<400x4704xf32> to vector<400xf32>
    %broadcast_in_dim3A_166 = vector.shape_cast %reduce_min3A_165 : vector<400xf32> to vector<400x1xf32>
    %eq3A_167 = vector.broadcast %broadcast_in_dim3A_166 : vector<400x1xf32> to vector<400x4704xf32>
    %eq3A_168 = arith.cmpf oeq, %select_n3A_163, %eq3A_167 : vector<400x4704xf32>
    %jit3A_169 = arith.constant 1.000000e+30 : f32
    %broadcast_in_dim3A_170 = vector.broadcast %jit3A_169 : f32 to vector<400x4704xf32>
    %select_n3A_171 = arith.select %eq3A_168, %convert_element_type3A_89, %broadcast_in_dim3A_170 : vector<400x4704xi1>, vector<400x4704xf32>
    %reduce_min3A_172 = arith.constant dense<0x7F800000> : vector<400xf32>
    %reduce_min3A_173 = vector.multi_reduction <minimumf>, %select_n3A_171, %reduce_min3A_172 [1] : vector<400x4704xf32> to vector<400xf32>
    %broadcast_in_dim3A_174 = vector.shape_cast %reduce_min3A_173 : vector<400xf32> to vector<400x1xf32>
    %mul3A_175 = arith.constant 6.37755089E-4 : f32
    %mul3A_176 = vector.broadcast %mul3A_175 : f32 to vector<400x1xf32>
    %mul3A_177 = arith.mulf %broadcast_in_dim3A_174, %mul3A_176 : vector<400x1xf32>
    %floor3A_178 = math.floor %mul3A_177 : vector<400x1xf32>
    %mul3A_179 = arith.constant 1.568000e+03 : f32
    %mul3A_180 = vector.broadcast %mul3A_179 : f32 to vector<400x1xf32>
    %mul3A_181 = arith.mulf %floor3A_178, %mul3A_180 : vector<400x1xf32>
    %sub3A_182 = arith.subf %broadcast_in_dim3A_174, %mul3A_181 : vector<400x1xf32>
    %convert_element_type3A_183 = arith.fptosi %floor3A_178 : vector<400x1xf32> to vector<400x1xi32>
    %lt3A_184 = arith.constant 0 : i32
    %lt3A_185 = vector.broadcast %lt3A_184 : i32 to vector<400x1xi32>
    %lt3A_186 = arith.cmpi slt, %convert_element_type3A_183, %lt3A_185 : vector<400x1xi32>
    %add3A_187 = arith.constant 3 : i32
    %add3A_188 = vector.broadcast %add3A_187 : i32 to vector<400x1xi32>
    %add3A_189 = arith.addi %convert_element_type3A_183, %add3A_188 : vector<400x1xi32>
    %select_n3A_190 = arith.select %lt3A_186, %add3A_189, %convert_element_type3A_183 : vector<400x1xi1>, vector<400x1xi32>
    %reshape3A_191 = vector.shape_cast %select_n3A_190 : vector<400x1xi32> to vector<400x1x1xi32>
    %gather3A_192 = vector.shape_cast %reshape3A_191 : vector<400x1x1xi32> to vector<400x1xi32>
    %gather3A_193 = tpu.dynamic_gather %concatenate3A[%gather3A_192] in [1] : vector<400x3xf32>, vector<400x1xi32> -> vector<400x1xf32>
    %mul3A_194 = arith.constant 1.568000e+03 : f32
    %mul3A_195 = vector.broadcast %mul3A_194 : f32 to vector<400x1xf32>
    %mul3A_196 = arith.mulf %gather3A_193, %mul3A_195 : vector<400x1xf32>
    %add3A_197 = arith.addf %mul3A_196, %sub3A_182 : vector<400x1xf32>
    %concatenate3A_198 = tpu.concatenate %broadcast_in_dim3A_32, %broadcast_in_dim3A_127, %broadcast_in_dim3A_166 in 1 : vector<400x1xf32>, vector<400x1xf32>, vector<400x1xf32> -> vector<400x3xf32>
    %concatenate3A_199 = tpu.concatenate %add3A_119, %add3A_158, %add3A_197 in 1 : vector<400x1xf32>, vector<400x1xf32>, vector<400x1xf32> -> vector<400x3xf32>
    %convert_element_type3A_200 = arith.fptosi %concatenate3A_199 : vector<400x3xf32> to vector<400x3xi32>
    %swap3A = arith.constant 0 : index
    %swap3A_201 = arith.constant 0 : index
    %swap3A_202 = vector.load %arg3[%swap3A, %swap3A_201] : memref<400x3xi32, #tpu.memory_space<vmem>>, vector<400x3xi32>
    tpu.vector_store %arg3[%swap3A, %swap3A_201], %convert_element_type3A_200 {strides = array<i32>} : memref<400x3xi32, #tpu.memory_space<vmem>>, vector<400x3xi32>,
    %max3A_203 = arith.constant 1.000000e-16 : f32
    %max3A_204 = vector.broadcast %max3A_203 : f32 to vector<400x3xf32>
    %max3A_205 = arith.maximumf %concatenate3A_198, %max3A_204 : vector<400x3xf32>
    %div3A = arith.constant 1.000000e+00 : f32
    %div3A_206 = vector.broadcast %div3A : f32 to vector<400x3xf32>
    %div3A_207 = arith.divf %div3A_206, %max3A_205 : vector<400x3xf32>
    %reduce_sum3A = arith.constant dense<0.000000e+00> : vector<400xf32>
    %reduce_sum3A_208 = vector.multi_reduction <add>, %div3A_207, %reduce_sum3A [1] : vector<400x3xf32> to vector<400xf32>
    %broadcast_in_dim3A_209 = vector.shape_cast %reduce_sum3A_208 : vector<400xf32> to vector<400x1xf32>
    %div3A_210 = vector.broadcast %broadcast_in_dim3A_209 : vector<400x1xf32> to vector<400x3xf32>
    %div3A_211 = arith.divf %div3A_207, %div3A_210 : vector<400x3xf32>
    %swap3A_212 = arith.constant 0 : index
    %swap3A_213 = arith.constant 0 : index
    %swap3A_214 = vector.load %arg4[%swap3A_212, %swap3A_213] : memref<400x3xf32, #tpu.memory_space<vmem>>, vector<400x3xf32>
    tpu.vector_store %arg4[%swap3A_212, %swap3A_213], %div3A_211 {strides = array<i32>} : memref<400x3xf32, #tpu.memory_space<vmem>>, vector<400x3xf32>,
    return
  }
  func.func @transform_0(%arg0: i32) -> (i32, i32) {
    %c0_i32 = arith.constant 0 : i32
    %c0_i32_0 = arith.constant 0 : i32
    return %arg0, %c0_i32 : i32, i32
  }
  func.func @transform_1(%arg0: i32) -> (i32, i32, i32) {
    %c0_i32 = arith.constant 0 : i32
    %c0_i32_0 = arith.constant 0 : i32
    %c0_i32_1 = arith.constant 0 : i32
    %c0_i32_2 = arith.constant 0 : i32
    return %c0_i32, %c0_i32_0, %c0_i32_1 : i32, i32, i32
  }
  func.func @transform_2(%arg0: i32) -> (i32, i32) {
    %c0_i32 = arith.constant 0 : i32
    %c0_i32_0 = arith.constant 0 : i32
    return %arg0, %c0_i32 : i32, i32
  }
  func.func @transform_3(%arg0: i32) -> (i32, i32) {
    %c0_i32 = arith.constant 0 : i32
    %c0_i32_0 = arith.constant 0 : i32
    return %arg0, %c0_i32 : i32, i32
  }
}

module attributes {stable_mosaic.version = 14 : i64} {
  func.func @_mlp_sub_body(%arg0: i32, %arg1: memref<1568x256xf32, #tpu.memory_space<vmem>>, %arg2: memref<256x128xf32, #tpu.memory_space<vmem>>, %arg3: memref<1x128xf32, #tpu.memory_space<vmem>>, %arg4: memref<1568x128xf32, #tpu.memory_space<vmem>>) attributes {dimension_semantics = [#tpu.dimension_semantics<arbitrary>], iteration_bounds = array<i64: 8>, scalar_prefetch = 0 : i64, scratch_operands = 0 : i64, tpu.core_type = #tpu.core_type<tc>, window_params = [{transform_indices = @transform_0, window_bounds = array<i64: 1568, 256>}, {pipeline_mode = #tpu.pipeline_mode<synchronous>, transform_indices = @transform_1, window_bounds = array<i64: 256, 128>}, {pipeline_mode = #tpu.pipeline_mode<synchronous>, transform_indices = @transform_2, window_bounds = array<i64: 1, 128>}, {transform_indices = @transform_3, window_bounds = array<i64: 1568, 128>}]} {
    %get3A = arith.constant 0 : index
    %get3A_0 = arith.constant 0 : index
    %get3A_1 = vector.load %arg1[%get3A, %get3A_0] : memref<1568x256xf32, #tpu.memory_space<vmem>>, vector<1568x256xf32>
    %get3A_2 = arith.constant 0 : index
    %get3A_3 = arith.constant 0 : index
    %get3A_4 = vector.load %arg2[%get3A_2, %get3A_3] : memref<256x128xf32, #tpu.memory_space<vmem>>, vector<256x128xf32>
    %dot_general3A = arith.constant dense<0.000000e+00> : vector<1568x128xf32>
    %dot_general3A_5 = tpu.matmul %get3A_1, %get3A_4, %dot_general3A {dimension_numbers = #tpu.dot_dimension_numbers<[1], [0], [0], [1], [0, 0, 1, 1], [], []>, precision = #tpu.contract_precision<fp32>, transpose_lhs_hint = false} : vector<1568x256xf32>, vector<256x128xf32>, vector<1568x128xf32> -> vector<1568x128xf32>
    %get3A_6 = arith.constant 0 : index
    %get3A_7 = arith.constant 0 : index
    %get3A_8 = vector.load %arg3[%get3A_6, %get3A_7] : memref<1x128xf32, #tpu.memory_space<vmem>>, vector<1x128xf32>
    %add3A = vector.broadcast %get3A_8 : vector<1x128xf32> to vector<1568x128xf32>
    %add3A_9 = arith.addf %dot_general3A_5, %add3A : vector<1568x128xf32>
    %max3A = arith.constant 0.000000e+00 : f32
    %max3A_10 = vector.broadcast %max3A : f32 to vector<1568x128xf32>
    %max3A_11 = arith.maximumf %add3A_9, %max3A_10 : vector<1568x128xf32>
    %swap3A = arith.constant 0 : index
    %swap3A_12 = arith.constant 0 : index
    %swap3A_13 = vector.load %arg4[%swap3A, %swap3A_12] : memref<1568x128xf32, #tpu.memory_space<vmem>>, vector<1568x128xf32>
    tpu.vector_store %arg4[%swap3A, %swap3A_12], %max3A_11 {strides = array<i32>} : memref<1568x128xf32, #tpu.memory_space<vmem>>, vector<1568x128xf32>,
    return
  }
  func.func @transform_0(%arg0: i32) -> (i32, i32) {
    %c0_i32 = arith.constant 0 : i32
    %c0_i32_0 = arith.constant 0 : i32
    return %arg0, %c0_i32 : i32, i32
  }
  func.func @transform_1(%arg0: i32) -> (i32, i32) {
    %c0_i32 = arith.constant 0 : i32
    %c0_i32_0 = arith.constant 0 : i32
    %c0_i32_1 = arith.constant 0 : i32
    return %c0_i32, %c0_i32_0 : i32, i32
  }
  func.func @transform_2(%arg0: i32) -> (i32, i32) {
    %c0_i32 = arith.constant 0 : i32
    %c0_i32_0 = arith.constant 0 : i32
    %c0_i32_1 = arith.constant 0 : i32
    return %c0_i32, %c0_i32_0 : i32, i32
  }
  func.func @transform_3(%arg0: i32) -> (i32, i32) {
    %c0_i32 = arith.constant 0 : i32
    %c0_i32_0 = arith.constant 0 : i32
    return %arg0, %c0_i32 : i32, i32
  }
}

module attributes {stable_mosaic.version = 14 : i64} {
  func.func @_combine_body(%arg0: i32, %arg1: memref<1000x128xf32, #tpu.memory_space<vmem>>, %arg2: memref<128x128xf32, #tpu.memory_space<vmem>>, %arg3: memref<1x128xf32, #tpu.memory_space<vmem>>, %arg4: memref<1000x3xf32, #tpu.memory_space<vmem>>, %arg5: memref<1000x128xf32, #tpu.memory_space<vmem>>, %arg6: memref<1000x128xf32, #tpu.memory_space<vmem>>, %arg7: memref<1000x128xf32, #tpu.memory_space<vmem>>, %arg8: memref<1000x128xf32, #tpu.memory_space<vmem>>) attributes {dimension_semantics = [#tpu.dimension_semantics<arbitrary>], iteration_bounds = array<i64: 50>, scalar_prefetch = 0 : i64, scratch_operands = 0 : i64, tpu.core_type = #tpu.core_type<tc>, window_params = [{transform_indices = @transform_0, window_bounds = array<i64: 1000, 128>}, {pipeline_mode = #tpu.pipeline_mode<synchronous>, transform_indices = @transform_1, window_bounds = array<i64: 128, 128>}, {pipeline_mode = #tpu.pipeline_mode<synchronous>, transform_indices = @transform_2, window_bounds = array<i64: 1, 128>}, {transform_indices = @transform_3, window_bounds = array<i64: 1000, 3>}, {transform_indices = @transform_4, window_bounds = array<i64: 1000, 128>}, {transform_indices = @transform_5, window_bounds = array<i64: 1000, 128>}, {transform_indices = @transform_6, window_bounds = array<i64: 1000, 128>}, {transform_indices = @transform_7, window_bounds = array<i64: 1000, 128>}]} {
    %get3A = arith.constant 0 : index
    %get3A_0 = arith.constant 0 : index
    %get3A_1 = vector.load %arg1[%get3A, %get3A_0] : memref<1000x128xf32, #tpu.memory_space<vmem>>, vector<1000x128xf32>
    %get3A_2 = arith.constant 0 : index
    %get3A_3 = arith.constant 0 : index
    %get3A_4 = vector.load %arg2[%get3A_2, %get3A_3] : memref<128x128xf32, #tpu.memory_space<vmem>>, vector<128x128xf32>
    %dot_general3A = arith.constant dense<0.000000e+00> : vector<1000x128xf32>
    %dot_general3A_5 = tpu.matmul %get3A_1, %get3A_4, %dot_general3A {dimension_numbers = #tpu.dot_dimension_numbers<[1], [0], [0], [1], [0, 0, 1, 1], [], []>, precision = #tpu.contract_precision<fp32>, transpose_lhs_hint = false} : vector<1000x128xf32>, vector<128x128xf32>, vector<1000x128xf32> -> vector<1000x128xf32>
    %get3A_6 = arith.constant 0 : index
    %get3A_7 = arith.constant 0 : index
    %get3A_8 = vector.load %arg3[%get3A_6, %get3A_7] : memref<1x128xf32, #tpu.memory_space<vmem>>, vector<1x128xf32>
    %add3A = vector.broadcast %get3A_8 : vector<1x128xf32> to vector<1000x128xf32>
    %add3A_9 = arith.addf %dot_general3A_5, %add3A : vector<1000x128xf32>
    %max3A = arith.constant 0.000000e+00 : f32
    %max3A_10 = vector.broadcast %max3A : f32 to vector<1000x128xf32>
    %max3A_11 = arith.maximumf %add3A_9, %max3A_10 : vector<1000x128xf32>
    %get3A_12 = arith.constant 0 : index
    %get3A_13 = arith.constant 0 : index
    %get3A_14 = vector.load %arg4[%get3A_12, %get3A_13] : memref<1000x3xf32, #tpu.memory_space<vmem>>, vector<1000x3xf32>
    %slice3A = vector.extract_strided_slice %get3A_14 {offsets = [0, 0], sizes = [1000, 1], strides = [1, 1]} : vector<1000x3xf32> to vector<1000x1xf32>
    %get3A_15 = arith.constant 0 : index
    %get3A_16 = arith.constant 0 : index
    %get3A_17 = vector.load %arg5[%get3A_15, %get3A_16] : memref<1000x128xf32, #tpu.memory_space<vmem>>, vector<1000x128xf32>
    %mul3A = vector.broadcast %slice3A : vector<1000x1xf32> to vector<1000x128xf32>
    %mul3A_18 = arith.mulf %mul3A, %get3A_17 : vector<1000x128xf32>
    %add3A_19 = arith.addf %max3A_11, %mul3A_18 : vector<1000x128xf32>
    %slice3A_20 = vector.extract_strided_slice %get3A_14 {offsets = [0, 1], sizes = [1000, 1], strides = [1, 1]} : vector<1000x3xf32> to vector<1000x1xf32>
    %get3A_21 = arith.constant 0 : index
    %get3A_22 = arith.constant 0 : index
    %get3A_23 = vector.load %arg6[%get3A_21, %get3A_22] : memref<1000x128xf32, #tpu.memory_space<vmem>>, vector<1000x128xf32>
    %mul3A_24 = vector.broadcast %slice3A_20 : vector<1000x1xf32> to vector<1000x128xf32>
    %mul3A_25 = arith.mulf %mul3A_24, %get3A_23 : vector<1000x128xf32>
    %add3A_26 = arith.addf %add3A_19, %mul3A_25 : vector<1000x128xf32>
    %slice3A_27 = vector.extract_strided_slice %get3A_14 {offsets = [0, 2], sizes = [1000, 1], strides = [1, 1]} : vector<1000x3xf32> to vector<1000x1xf32>
    %get3A_28 = arith.constant 0 : index
    %get3A_29 = arith.constant 0 : index
    %get3A_30 = vector.load %arg7[%get3A_28, %get3A_29] : memref<1000x128xf32, #tpu.memory_space<vmem>>, vector<1000x128xf32>
    %mul3A_31 = vector.broadcast %slice3A_27 : vector<1000x1xf32> to vector<1000x128xf32>
    %mul3A_32 = arith.mulf %mul3A_31, %get3A_30 : vector<1000x128xf32>
    %add3A_33 = arith.addf %add3A_26, %mul3A_32 : vector<1000x128xf32>
    %swap3A = arith.constant 0 : index
    %swap3A_34 = arith.constant 0 : index
    %swap3A_35 = vector.load %arg8[%swap3A, %swap3A_34] : memref<1000x128xf32, #tpu.memory_space<vmem>>, vector<1000x128xf32>
    tpu.vector_store %arg8[%swap3A, %swap3A_34], %add3A_33 {strides = array<i32>} : memref<1000x128xf32, #tpu.memory_space<vmem>>, vector<1000x128xf32>,
    return
  }
  func.func @transform_0(%arg0: i32) -> (i32, i32) {
    %c0_i32 = arith.constant 0 : i32
    %c0_i32_0 = arith.constant 0 : i32
    return %arg0, %c0_i32 : i32, i32
  }
  func.func @transform_1(%arg0: i32) -> (i32, i32) {
    %c0_i32 = arith.constant 0 : i32
    %c0_i32_0 = arith.constant 0 : i32
    %c0_i32_1 = arith.constant 0 : i32
    return %c0_i32, %c0_i32_0 : i32, i32
  }
  func.func @transform_2(%arg0: i32) -> (i32, i32) {
    %c0_i32 = arith.constant 0 : i32
    %c0_i32_0 = arith.constant 0 : i32
    %c0_i32_1 = arith.constant 0 : i32
    return %c0_i32, %c0_i32_0 : i32, i32
  }
  func.func @transform_3(%arg0: i32) -> (i32, i32) {
    %c0_i32 = arith.constant 0 : i32
    %c0_i32_0 = arith.constant 0 : i32
    return %arg0, %c0_i32 : i32, i32
  }
  func.func @transform_4(%arg0: i32) -> (i32, i32) {
    %add3A = arith.constant 0 : i32
    %add3A_0 = arith.addi %add3A, %arg0 : i32
    %c0_i32 = arith.constant 0 : i32
    %c0_i32_1 = arith.constant 0 : i32
    return %add3A_0, %c0_i32 : i32, i32
  }
  func.func @transform_5(%arg0: i32) -> (i32, i32) {
    %add3A = arith.constant 50 : i32
    %add3A_0 = arith.addi %add3A, %arg0 : i32
    %c0_i32 = arith.constant 0 : i32
    %c0_i32_1 = arith.constant 0 : i32
    return %add3A_0, %c0_i32 : i32, i32
  }
  func.func @transform_6(%arg0: i32) -> (i32, i32) {
    %add3A = arith.constant 100 : i32
    %add3A_0 = arith.addi %add3A, %arg0 : i32
    %c0_i32 = arith.constant 0 : i32
    %c0_i32_1 = arith.constant 0 : i32
    return %add3A_0, %c0_i32 : i32, i32
  }
  func.func @transform_7(%arg0: i32) -> (i32, i32) {
    %c0_i32 = arith.constant 0 : i32
    %c0_i32_0 = arith.constant 0 : i32
    return %arg0, %c0_i32 : i32, i32
  }
}

</mosaic_0001>

<sc_bundles>
// kernel: kernel.6.cloned.1.call-start
scs
__scs_entry_jumppad:
0x0: {  	(pc) =	sbr.rel $0x88, $3  }
0x1: {  	(tag) =	ssettag $0x0;
	lr =	simm.s32 $0x1  }
0x2: {  	[smem:$0x3F99] =	sst lr;
	_ =	strace $0xD0000000  }
0x3: {  	_ = 	snop  }
0x4: {  	_ = 	snop  }
0x5: {  	_ = 	snop  }
0x6: {  	_ = 	snop  }
0x7: {  	_ = 	snop  }
__scs_overlays_trampoline_lowered:
0x8: {  	[smem:$0x3FA8] =	sst s0  }
0x9: {  	[smem:$0x3FA9] =	sst s1  }
0xa: {  	[smem:$0x3FAA] =	sst s2  }
0xb: {  	[smem:$0x3FAB] =	sst s3  }
0xc: {  	[smem:$0x3FAC] =	sst s4  }
0xd: {  	[smem:$0x3FAD] =	sst s5  }
0xe: {  	[smem:$0x3FAE] =	sst s6  }
0xf: {  	[smem:$0x3FAF] =	sst s7  }
0x10: {  	[smem:$0x3FB0] =	sst s8  }
0x11: {  	[smem:$0x3FB1] =	sst s9;
	s0 =	simm.s32 @!p0 $0x0  }
0x12: {  	s1 =	sld [smem:$0x3F97];
	s0 =	simm.s32 @p0 $0x1  }
0x13: {  	[smem:$0x3FB2] =	sst s0;
	s0 =	simm.s32 @!p1 $0x0  }
0x14: {  	s2 =	sld [smem:$0x3F96];
	s0 =	simm.s32 @p1 $0x1  }
0x15: {  	[smem:$0x3FB3] =	sst s0;
	s0 =	simm.s32 @!p2 $0x0  }
0x16: {  	s3 =	sld [smem:$0x3FDB];
	s0 =	simm.s32 @p2 $0x1  }
0x17: {  	s4 =	simm.s32 $0x1BF5;
	[smem:$0x3FB5] =	sst s0  }
0x18: {  	s0 =	sld [smem:$0x3F98];
	_ =	swait.ge [sflag:s4], $0x0  }
0x19: {  	s7 =	sld [smem:$0x3F99]  }
0x1a: {  	s8 =	sadd.s32 $0xFFFFE003, lr  }
0x1b: {  	s9 =	sadd.s32 $0xFFFFFEF7, lr;
	s5 =	simm.s32 $0xFFFFFFFF;
	p2 =	slt.u32 s8, $0xFFFFF086  }
0x1c: {  	p1 =	slt.u32 s9, $0xF7A;
	s5 =	simm.s32 @!p2 $0x0  }
0x1d: {  	s5 =	simm.s32 @p1 $0x1;
	p0 =	seq.s32 s7, s2  }
0x1e: {  	s7 =	smul.u32 @!p0 $0xF7A, s2;
	p2 =	seq.s32 @!p0 s5, $0x0  }
0x1f: {  	s9 =	smul.u32 $0xF7A, s1;
	s8 =	simm.s32 @!p0 $0x1BF5;
	p2 =	por !p2, p0  }
0x20: {  	[sflag:s8] =	ssyncset.s32 @!p0 $0xFFFFF086;
	s6 =	sadd.s32 @!p0 s3, s7;
	s7 =	simm.s32 @!p0 $0x108  }
0x21: {  	s3 =	sadd.s32 s3, s9;
	s6 =	sadd.s32 @!p0 $0x88, s6;
	s7 =	simm.s32 @p2 $0x1082  }
0x22: {  	[simem:s7], [sflag:s8] =	dma.local @!p0 [hbm:s6], $0xF7A  }
0x23: {  	s9 =	sor.u32 $0xD0000000, s2;
	s6 =	simm.s32 $0x108;
	_ =	swait.ge @!p0 [sflag:s8], $0x0  }
0x24: {  	s3 =	sadd.s32 $0x88, s3;
	s6 =	simm.s32 @!p1 $0x1082;
	[sflag:s4] =	ssyncset.s32 $0xFFFFF086  }
0x25: {  	[simem:s6], [sflag:s4] =	dma.local [hbm:s3], $0xF7A  }
0x26: {  	[smem:$0x3F99] =	sst s1;
	(tag) =	ssettag s2;
	_ =	strace s9  }
0x27: {  	s1 =	sld [smem:$0x3FA9]  }
0x28: {  	s2 =	sld [smem:$0x3FAA]  }
0x29: {  	s4 =	sld [smem:$0x3FAC]  }
0x2a: {  	p0 =	seq.s32 s5, $0x0;
	s5 =	sld [smem:$0x3FAD]  }
0x2b: {  	s6 =	sld [smem:$0x3FAE]  }
0x2c: {  	s7 =	sld [smem:$0x3FAF]  }
0x2d: {  	s3 =	simm.s32 $0x108;
	s8 =	sld [smem:$0x3FB0]  }
0x2e: {  	s3 =	simm.s32 @!p0 $0x1082;
	s9 =	sld [smem:$0x3FB1]  }
0x2f: {  	lr =	sadd.s32 s0, s3;
	s0 =	sld [smem:$0x3FA8]  }
0x30: {  	s3 =	sld [smem:$0x3FAB]  }
0x31: {  	[smem:$0x3FB4] =	sst s10  }
0x32: {  	s10 =	sld [smem:$0x3FB2];
	_ =	sdelay $0x3  }
0x33: {  	p0 =	seq.s32 s10, $0x1;
	s10 =	sld [smem:$0x3FB4];
	_ =	sdelay $0x3  }
0x34: {  	[smem:$0x3FB4] =	sst s10  }
0x35: {  	s10 =	sld [smem:$0x3FB3];
	_ =	sdelay $0x3  }
0x36: {  	p1 =	seq.s32 s10, $0x1;
	s10 =	sld [smem:$0x3FB4];
	_ =	sdelay $0x3  }
0x37: {  	[smem:$0x3FB4] =	sst s10  }
0x38: {  	s10 =	sld [smem:$0x3FB5]  }
0x39: {  	_ = 	snop;
	(pc) =	sbr.ind lr, $3  }
0x3a: {  	_ = 	snop  }
0x3b: {  	_ = 	snop  }
0x3c: {  	p2 =	seq.s32 s10, $0x1;
	s10 =	sld [smem:$0x3FB4]  }
0x3d: {  	_ =	shalt  }
0x3e: {  	_ =	shalt  }
0x3f: {  	_ =	shalt  }
0x40: {  	_ =	shalt  }
0x41: {  	_ =	shalt  }
0x42: {  	_ =	shalt  }
0x43: {  	_ =	shalt  }
0x44: {  	_ =	shalt  }
0x45: {  	_ =	shalt  }
0x46: {  	_ =	shalt  }
0x47: {  	_ =	shalt  }
0x48: {  	_ =	shalt  }
0x49: {  	_ =	shalt  }
0x4a: {  	_ =	shalt  }
0x4b: {  	_ =	shalt  }
0x4c: {  	_ =	shalt  }
0x4d: {  	_ =	shalt  }
0x4e: {  	_ =	shalt  }
0x4f: {  	_ =	shalt  }
0x50: {  	_ =	shalt  }
0x51: {  	_ =	shalt  }
0x52: {  	_ =	shalt  }
0x53: {  	_ =	shalt  }
0x54: {  	_ =	shalt  }
0x55: {  	_ =	shalt  }
0x56: {  	_ =	shalt  }
0x57: {  	_ =	shalt  }
0x58: {  	_ =	shalt  }
0x59: {  	_ =	shalt  }
0x5a: {  	_ =	shalt  }
0x5b: {  	_ =	shalt  }
0x5c: {  	_ =	shalt  }
0x5d: {  	_ =	shalt  }
0x5e: {  	_ =	shalt  }
0x5f: {  	_ =	shalt  }
0x60: {  	_ =	shalt  }
0x61: {  	_ =	shalt  }
0x62: {  	_ =	shalt  }
0x63: {  	_ =	shalt  }
0x64: {  	_ =	shalt  }
0x65: {  	_ =	shalt  }
0x66: {  	_ =	shalt  }
0x67: {  	_ =	shalt  }
0x68: {  	_ =	shalt  }
0x69: {  	_ =	shalt  }
0x6a: {  	_ =	shalt  }
0x6b: {  	_ =	shalt  }
0x6c: {  	_ =	shalt  }
0x6d: {  	_ =	shalt  }
0x6e: {  	_ =	shalt  }
0x6f: {  	_ =	shalt  }
0x70: {  	_ =	shalt  }
0x71: {  	_ =	shalt  }
0x72: {  	_ =	shalt  }
0x73: {  	_ =	shalt  }
0x74: {  	_ =	shalt  }
0x75: {  	_ =	shalt  }
0x76: {  	_ =	shalt  }
0x77: {  	_ =	shalt  }
0x78: {  	_ =	shalt  }
0x79: {  	_ =	shalt  }
0x7a: {  	_ =	shalt  }
0x7b: {  	_ =	shalt  }
0x7c: {  	_ =	shalt  }
0x7d: {  	_ =	shalt  }
0x7e: {  	_ =	shalt  }
0x7f: {  	_ =	shalt  }
0x80: {  	_ =	shalt  }
0x81: {  	_ =	shalt  }
0x82: {  	_ =	shalt  }
0x83: {  	_ =	shalt  }
0x84: {  	_ =	shalt  }
0x85: {  	_ =	shalt  }
0x86: {  	_ =	shalt  }
0x87: {  	_ =	shalt  }
.Lfunc_end0:
.L_simem_size_0:
called_computation_lowered:
.L_overlay_start_0:
0x88: {  	s2 =	sld [smem:$0x3FD9]  }
0x89: {  	s3 =	sld [smem:$0x3FFE];
	_ =	sdelay $0x1  }
0x8a: {  	s1 =	srdreg.scid  }
0x8b: {  	s0 =	sand.u32 $0x1, s1  }
0x8c: {  	s17 =	sshll.u32 s0, $0xA;
	s2 =	sadd.s32 s3, s2  }
0x8d: {  	s2 =	sadd.s32 s2, s17  }
0x8e: {  	[smem:$0x3FC0] =	sst s2  }
0x8f: {  	_ = 	snop  }
0x90: {  	s2 =	sld [smem:$0x3FD0];
	(tm) =	ssettm $0x1  }
0x91: {  	s18 =	sld [smem:$0x3FFB];
	_ =	sdelay $0x3  }
0x92: {  	_ =	strace s18  }
0x93: {  	s3 =	sld [smem:$0x3FFC];
	_ =	sdelay $0x3  }
0x94: {  	_ =	strace s3  }
0x95: {  	s3 =	sld [smem:$0x3FFD];
	_ =	sdelay $0x3  }
0x96: {  	_ =	strace s3  }
0x97: {  	_ =	strace $0x8FFFFFFF  }
0x98: {  	s19 =	sld [smem:$0x3FDB];
	_ =	sdelay $0x1  }
0x99: {  	s4 =	simm.s32 $_scs_section_size  }
0x9a: {  	s5 =	simm.s32 $_size__tile_overlayer_lowered;
	s6 =	simm.s32 $_tile_overlayer_lowered  }
0x9b: {  	s22 =	simm.s32 $0x1BFF;
	s21 =	sshll.u32 s6, $0x1;
	s3 =	sadd.s32 s4, s19  }
0x9c: {  	s7 =	simm.s32 $0x0;
	s20 =	sshll.u32 s5, $0x1;
	s5 =	sadd.s32 s21, s3  }
0x9d: {  	[timem:s7], [sflag:s22] =	dma.local [hbm:s5], s20  }
0x9e: {  	_ =	swait.ge [sflag:s22], s20  }
0x9f: {  	s4 =	ssub.s32 $0x0, s20;
	[sflag:s22] =	ssyncset.done $0x0  }
0xa0: {  	[sflag:s22] =	ssyncadd.s32 s4;
	_ =	sdelay $0x1  }
0xa1: {  	s23 =	simm.s32 $0x1B8B  }
0xa2: {  	_ =	swait.ge [sflag:s23], $0x1  }
0xa3: {  	[sflag:s23] =	ssyncset.done $0x0  }
0xa4: {  	s25 =	simm.s32 $0x1B8E;
	s24 =	sld [smem:$0x3FFE];
	[sflag:s23] =	ssyncadd.s32 $0xFFFFFFFF  }
0xa5: {  	s26 =	simm.s32 $execute0_lowered;
	[smem:$0x3FD2] =	sst s25  }
0xa6: {  	s5 =	sshll.u32 s26, $0x1;
	_ =	strace $0x80000046;
	[dreg:$0x1] =	wrdreg $0xFFFFFFFF  }
0xa7: {  	s28 =	simm.s32 $_size_execute0_lowered;
	s3 =	sadd.s32 s3, s5;
	[dreg:$0x0] =	wrdreg $0x0  }
0xa8: {  	s5 =	sshll.u32 s28, $0x1;
	[dreg:$0x2] =	wrdreg s3  }
0xa9: {  	[dreg:$0x3] =	wrdreg s5  }
0xaa: {  	[dreg:$0x4] =	wrdreg $0xC0  }
0xab: {  	_ =	task [dreg:s7], $0x5FFFF  }
0xac: {  	[dreg:$0x1] =	wrdreg $0xFFFFFFFF  }
0xad: {  	[dreg:$0x0] =	wrdreg $0x60  }
0xae: {  	[dreg:$0x2] =	wrdreg s2  }
0xaf: {  	[dreg:$0x3] =	wrdreg s24  }
0xb0: {  	[dreg:$0x4] =	wrdreg $0x9  }
0xb1: {  	_ =	task.clear_ibuf [dreg:s7], $0x5FFFF;
	_ =	strace $0x90000046  }
0xb2: {  	s29 =	simm.s32 $0x9;
	_ =	strace $0x80000048  }
0xb3: {  	_ =	swait.ge [sflag:s29], $0x1  }
0xb4: {  	[sflag:s29] =	ssyncadd.s32 $0xFFFFFFFF  }
0xb5: {  	_ =	strace $0x90000048  }
0xb6: {  	_ =	sfence  }
0xb7: {  	s30 =	sld [smem:$0x0];
	_ =	sdelay $0x2  }
0xb8: {  	s31 =	sshll.u32 s1, $0xD;
	s1 =	sshrl.u32 s1, $0x2  }
0xb9: {  	s3 =	sand.u32 $0x4000, s31;
	s1 =	sadd.s32 s1, s30  }
0xba: {  	s0 =	sor.u32 s3, s0;
	s1 =	sshll.u32 s1, $0x11  }
0xbb: {  	s0 =	sor.u32 s1, s0  }
0xbc: {  	s0 =	sadd.s32 $0x8F2B, s0  }
0xbd: {  	[sflag:s0] =	ssyncadd.remote.s32 $0x1  }
0xbe: {  	_ =	sfence.sel $0xFFFF  }
0xbf: {  	[dreg:$0x0] =	wrdreg $0xFFFFFFFF;
	(pc) =	sbr.abs _section_cstart, $3  }
0xc0: {  	[dreg:$0x1] =	wrdreg $0xFFFFFFFF  }
0xc1: {  	_ =	task.clear_ibuf [dreg:s7], $0x2FFFF;
	_ =	strace $0x9FFFFFFF  }
0xc2: {  	(tm) =	ssettm $0x7FFFFFFF  }
0xc3: {  	_ =	shalt  }
tec
execute0_lowered:
.L_overlay_start_1:
0x0: {  	(tag) =	ssettag $0x1  }
0x1: {  	s2 =	rddreg [dreg:$0x0]  }
0x2: {  	s4 =	rddreg [dreg:$0x1]  }
0x3: {  	s0 =	rddreg [dreg:$0x2];
	s1 =	stileid.u32  }
0x4: {  	s5 =	srdreg.scid;
	s3 =	simm.s32 $0x0;
	s6 =	smul.u32 $0x2500, s1  }
0x5: {  	s10 =	simm.s32 $0x0;
	s5 =	sand.u32 $0x1, s5;
	s8 =	smul.u32 $0x25000, s1  }
0x6: {  	[smem:$0x7FF] =	sst s3;
	s7 =	smul.u32 $0x1280, s5;
	s9 =	ssub.s32 $0x2, s5  }
0x7: {  	_ =	strace $0x80000047;
	s5 =	smul.u32 $0x12800, s5;
	s31 =	sshrl.u32 s9, $0x1  }
0x8: {  	s8 =	sadd.s32 s8, s4;
	s6 =	sadd.s32 s7, s6;
	s7 =	ssub.s32 s9, s31  }
0x9: {  	s5 =	sadd.s32 s5, s8;
	s8 =	simm.s32 $0x80;
	s6 =	sshrl.u32 s6, $0x3  }
0xa: {  	s9 =	simm.s32 $0x1;
	s5 =	sadd.s32 $0x188C00, s5;
	s6 =	sadd.s32 s6, s4  }
0xb: {  	s4 =	smax.u32 s7, $0x1;
	s7 =	simm.s32 $0x2;
	s6 =	sadd.s32 $0x2000, s6  }
.LBB2_1:
0xc: {  	s11 =	sadd.s32 $0x0, s6  }
0xd: {  	[tilespmem:s3], [sflag:$0x2] =	stream.linear.gather [hbm4b:s11+s3], $0x80, $0x38;
	[tilespmem:$0x4080] =	vst v63  }
0xe: {  	_ =	swait.ge [sflag:s7], $0x80  }
0xf: {  	[sflag:s7] =	ssyncset.done $0x0  }
0x10: {  	[sflag:s7] =	ssyncadd.s32 $0xFFFFFF80  }
0x11: {  	[tilespmem:s8], [sflag:$0x1] =	stream.indirect.gather [hbm4b:s2+s8], $0x80, s3, s8, $0xb8;
	[tilespmem:$0x4080] =	vst v63  }
0x12: {  	_ =	swait.ge [sflag:s9], $0x4000  }
0x13: {  	[sflag:s9] =	ssyncset.done $0x0  }
0x14: {  	[sflag:s9] =	ssyncadd.s32 $0xFFFFC000  }
0x15: {  	[hbm4b:s5+s3] =	stream.linear.scatter [tilespmem:s8], [sflag:$0x2], $0x4000, $0x38;
	[tilespmem:$0x4080] =	vst v63  }
0x16: {  	s12 =	simm.s32 $0x10;
	_ =	swait.ge [sflag:s7], $0x4000  }
0x17: {  	s13 =	simm.s32 $0x20;
	s11 =	sadd.s32 $0x800, s5;
	[sflag:s7] =	ssyncset.done $0x0  }
.LBB2_2:
0x18: {  	s14 =	sadd.s32 s12, s6  }
0x19: {  	[sflag:s7] =	ssyncadd.s32 $0xFFFFC000;
	s12 =	smov.u32 s13;
	s15 =	sadd.s32 $0x10, s13  }
0x1a: {  	[tilespmem:s3], [sflag:$0x2] =	stream.linear.gather [hbm4b:s14+s3], $0x80, $0x38;
	[tilespmem:$0x4080] =	vst v63  }
0x1b: {  	p0 =	sne.s32 s13, $0x240;
	_ =	swait.ge [sflag:s7], $0x80  }
0x1c: {  	[sflag:s7] =	ssyncset.done $0x0  }
0x1d: {  	[sflag:s7] =	ssyncadd.s32 $0xFFFFFF80  }
0x1e: {  	[tilespmem:s8], [sflag:$0x1] =	stream.indirect.gather [hbm4b:s2+s8], $0x80, s3, s8, $0xb8;
	[tilespmem:$0x4080] =	vst v63  }
0x1f: {  	_ =	swait.ge [sflag:s9], $0x4000  }
.Ltmp0:
0x20: {  	[sflag:s9] =	ssyncset.done $0x0;
	(pc) =	sbr.rel @p0 .LBB2_2-.Ltmp0, $4  }
0x21: {  	[sflag:s9] =	ssyncadd.s32 $0xFFFFC000  }
0x22: {  	[hbm4b:s11+s3] =	stream.linear.scatter [tilespmem:s8], [sflag:$0x2], $0x4000, $0x38;
	[tilespmem:$0x4080] =	vst v63  }
0x23: {  	_ =	swait.ge [sflag:s7], $0x4000  }
0x24: {  	s13 =	smov.u32 s15;
	s11 =	sadd.s32 $0x800, s11;
	[sflag:s7] =	ssyncset.done $0x0  }
0x25: {  	s12 =	sadd.s32 s12, s6;
	[sflag:s7] =	ssyncadd.s32 $0xFFFFC000  }
0x26: {  	[tilespmem:s3], [sflag:$0x2] =	stream.linear.gather [hbm4b:s12+s3], $0x80, $0x38;
	[tilespmem:$0x4080] =	vst v63  }
0x27: {  	_ =	swait.ge [sflag:s7], $0x80  }
0x28: {  	[sflag:s7] =	ssyncset.done $0x0  }
0x29: {  	[sflag:s7] =	ssyncadd.s32 $0xFFFFFF80  }
0x2a: {  	[tilespmem:s8], [sflag:$0x1] =	stream.indirect.gather [hbm4b:s2+s8], $0x80, s3, s8, $0xb8;
	[tilespmem:$0x4080] =	vst v63  }
0x2b: {  	s10 =	sadd.s32 $0x1, s10;
	_ =	swait.ge [sflag:s9], $0x4000  }
0x2c: {  	p0 =	sne.s32 s10, s4;
	[sflag:s9] =	ssyncset.done $0x0  }
.Ltmp1:
0x2d: {  	[sflag:s9] =	ssyncadd.s32 $0xFFFFC000;
	(pc) =	sbr.rel @p0 .LBB2_1-.Ltmp1, $4  }
0x2e: {  	[hbm4b:s11+s3] =	stream.linear.scatter [tilespmem:s8], [sflag:$0x2], $0x4000, $0x38;
	[tilespmem:$0x4080] =	vst v63  }
0x2f: {  	_ =	swait.ge [sflag:s7], $0x4000  }
0x30: {  	[sflag:s7] =	ssyncset.done $0x0  }
0x31: {  	[sflag:s7] =	ssyncadd.s32 $0xFFFFC000  }
0x32: {  	_ =	sfence.sel $0x180000  }
0x33: {  	[bflag:$0x0] =	sbarrier.arrive $0xFFFF  }
0x34: {  	p0 =	sne.s32 s1, $0x0;
	_ =	strace $0x90000047  }
0x35: {  	s0 =	sadd.s32 @!p0 $0x100000, s0;
	[bflag:$0x2] =	sbarrier.arrive $0xFFFF  }
0x36: {  	[sflag:s0] =	ssyncadd.tile.s32 @!p0 $0x1;
	_ =	shalt  }
.Lfunc_end2:
_tile_overlayer_lowered:
.L_overlay_start_2:
0x37: {  	(tag) =	ssettag $0x2  }
0x38: {  	s0 =	rddreg [dreg:$0x0];
	s2 =	stileid.u32  }
0x39: {  	s1 =	rddreg [dreg:$0x1];
	p0 =	sne.s32 s2, $0x0  }
0x3a: {  	s3 =	rddreg [dreg:$0x2];
	[bflag:$0x3] =	sbarrier.arrive $0xFFFF;
	s2 =	simm.s32 @!p0 $0x1C02  }
0x3b: {  	[timem:s3], [sflag:s2] =	dma.local @!p0 [hbm:s0], s1  }
0x3c: {  	s0 =	simm.s32 @!p0 $0x2  }
0x3d: {  	_ =	swait.ge @!p0 [sflag:s0], s1  }
0x3e: {  	s1 =	ssub.s32 @!p0 $0x0, s1;
	[sflag:s0] =	ssyncset.done @!p0 $0x0  }
0x3f: {  	[sflag:s0] =	ssyncadd.s32 @!p0 s1  }
0x40: {  	[bflag:$0x3] =	sbarrier.arrive $0xFFFF  }
0x41: {  	_ =	shalt  }

</sc_bundles>
